<compile_context>
chip_gen: v7x
topology: tpu7x:2x2x1
jax: 0.10.2.dev20260603
libtpu: 0.0.44.dev20260713+nightly
codegen_flags: <defaults>
</compile_context>

<pallas_src>
import functools

import jax
import jax.numpy as jnp
from jax import lax
from jax.experimental import pallas as pl
from jax.experimental.pallas import tpu as pltpu
from jax.experimental.pallas import tpu_sc as plsc

B, L, D = 4, 8192, 1024
MAXC = L // 4
LANES = 16
NCHUNK = L // LANES
ROWS_PER_W = (B * MAXC) // 32
GK = 32
NG = ROWS_PER_W // GK
DV = D // LANES


def _body(hs_hbm, mask_hbm, out_hbm, tix_hbm, nc_hbm,
          mask_v, c1_v, tix_v, nc_v, idx_v, ncv_v, gbufA, gbufB, gbufC,
          sp_tix, sp_nc,
          gsemA, gsemB, gsemC, wsemA, wsemB, wsemC):
    cid = lax.axis_index("c")
    sid = lax.axis_index("s")
    iota = lax.iota(jnp.int32, LANES)

    @pl.when(sid < B)
    def _phase_a():
        b = sid
        pltpu.sync_copy(mask_hbm.at[b], mask_v)

        def scan_body(c, carry_vec):
            m = mask_v[pl.ds(c * LANES, LANES)]
            mb = m > 0
            c1 = jnp.cumsum(m) + carry_vec
            c1_v[pl.ds(c * LANES, LANES)] = c1
            pos = iota + c * LANES
            dest = c1 - 1
            valid = mb & (dest < MAXC)
            plsc.store_scatter(tix_v, [dest], pos, mask=valid)
            return carry_vec + plsc.all_reduce_population_count(mb)

        total_vec = lax.fori_loop(0, NCHUNK, scan_body,
                                  jnp.zeros((LANES,), jnp.int32))
        total = jnp.max(total_vec)

        @pl.when(total < MAXC)
        def _zeros_pass():
            def zbody(c, carry):
                m = mask_v[pl.ds(c * LANES, LANES)]
                c1 = c1_v[pl.ds(c * LANES, LANES)]
                pos = iota + c * LANES
                dest = total + pos - c1
                valid = (m == 0) & (dest < MAXC)
                plsc.store_scatter(tix_v, [dest], pos, mask=valid)
                return carry
            lax.fori_loop(0, NCHUNK, zbody, jnp.int32(0))

        nc_v[...] = jnp.full((LANES,), total, jnp.int32)
        pltpu.sync_copy(tix_v, sp_tix.at[b])
        pltpu.sync_copy(nc_v, sp_nc.at[b])

        @pl.when(cid == 0)
        def _out():
            pltpu.sync_copy(tix_v, tix_hbm.at[b])
            pltpu.sync_copy(nc_v, nc_hbm.at[b])

    plsc.subcore_barrier()

    wid = cid * 16 + sid
    b = wid // 8
    loff = (wid % 8) * ROWS_PER_W
    row0 = wid * ROWS_PER_W

    pltpu.sync_copy(sp_tix.at[b, pl.ds(loff, ROWS_PER_W)], idx_v)
    pltpu.sync_copy(sp_nc.at[b], ncv_v)
    total = jnp.max(ncv_v[...])
    bias = b * L
    for i in range(ROWS_PER_W // LANES):
        idx_v[pl.ds(i * LANES, LANES)] = idx_v[pl.ds(i * LANES, LANES)] + bias

    gbufs = (gbufA, gbufB, gbufC)
    gsems = (gsemA, gsemB, gsemC)
    wsems = (wsemA, wsemB, wsemC)
    NBUF = 3

    def start_gather(g, nb):
        pltpu.async_copy(hs_hbm.at[idx_v.at[pl.ds(g * GK, GK)]],
                         gbufs[nb], gsems[nb])

    def wait_gather(g, nb):
        pltpu.make_async_copy(hs_hbm.at[idx_v.at[pl.ds(g * GK, GK)]],
                              gbufs[nb], gsems[nb]).wait()

    def start_write(g, nb):
        pltpu.async_copy(gbufs[nb], out_hbm.at[pl.ds(row0 + g * GK, GK)],
                         wsems[nb])

    def wait_write(g, nb):
        pltpu.make_async_copy(gbufs[nb],
                              out_hbm.at[pl.ds(row0 + g * GK, GK)],
                              wsems[nb]).wait()

    PROBE_SKIP_GATHER = True
    if not PROBE_SKIP_GATHER:
        start_gather(0, 0)
        start_gather(1, 1)
    for g in range(NG if not PROBE_SKIP_GATHER else 0):
        nb = g % NBUF
        nxt = g + 2
        if nxt < NG:
            nbx = nxt % NBUF
            if nxt >= NBUF:
                wait_write(nxt - NBUF, nbx)
            start_gather(nxt, nbx)
        wait_gather(g, nb)

        jbase = loff + g * GK
        @pl.when(jbase + GK - 1 >= total)
        def _mask_block(nb=nb, jbase=jbase):
            buf = gbufs[nb]
            def prow(r, carry):
                f = (jbase + r < total).astype(jnp.float32)
                def pvec(v, c2):
                    x = buf[r, pl.ds(v * LANES, LANES)]
                    buf[r, pl.ds(v * LANES, LANES)] = x * f
                    return c2
                lax.fori_loop(0, DV, pvec, jnp.int32(0))
                return carry
            lax.fori_loop(0, GK, prow, jnp.int32(0))

        start_write(g, nb)
    for g in range(max(0, NG - 3), NG if not PROBE_SKIP_GATHER else 0):
        wait_write(g, g % NBUF)


@jax.jit
def _chunk_kernel(hs_flat, mask_i32):
    mesh = plsc.VectorSubcoreMesh(core_axis_name="c", subcore_axis_name="s")
    kern = pl.kernel(
        _body,
        out_type=(
            jax.ShapeDtypeStruct((B * MAXC, D), jnp.float32),
            jax.ShapeDtypeStruct((B, MAXC), jnp.int32),
            jax.ShapeDtypeStruct((B, LANES), jnp.int32),
        ),
        mesh=mesh,
        compiler_params=pltpu.CompilerParams(needs_layout_passes=False),
        scratch_types=(
            pltpu.VMEM((L,), jnp.int32),
            pltpu.VMEM((L,), jnp.int32),
            pltpu.VMEM((MAXC,), jnp.int32),
            pltpu.VMEM((LANES,), jnp.int32),
            pltpu.VMEM((ROWS_PER_W,), jnp.int32),
            pltpu.VMEM((LANES,), jnp.int32),
            pltpu.VMEM((GK, D), jnp.float32),
            pltpu.VMEM((GK, D), jnp.float32),
            pltpu.VMEM((GK, D), jnp.float32),
            pltpu.VMEM_SHARED((B, MAXC), jnp.int32),
            pltpu.VMEM_SHARED((B, LANES), jnp.int32),
            pltpu.SemaphoreType.DMA,
            pltpu.SemaphoreType.DMA,
            pltpu.SemaphoreType.DMA,
            pltpu.SemaphoreType.DMA,
            pltpu.SemaphoreType.DMA,
            pltpu.SemaphoreType.DMA,
        ),
    )
    return kern(hs_flat, mask_i32)


def kernel(hidden_states, boundary_mask):
    hs_flat = hidden_states.reshape(B * L, D)
    mask_i32 = boundary_mask.astype(jnp.int32)
    chunked_flat, take_idx, nc = _chunk_kernel(hs_flat, mask_i32)
    chunked = chunked_flat.reshape(B, MAXC, D)
    num_chunks = jnp.minimum(nc[:, 0], MAXC)
    pad_mask = jnp.arange(MAXC, dtype=jnp.int32)[None, :] < num_chunks[:, None]
    return (chunked, pad_mask, take_idx)

# --- scband reference (transcript-rebuilt; emitter-appended) ---
"""Pipeline reference for scband-chunk-layer-31507880083555 (READ-ONLY COPY).

The authoritative reference and input builder live on the scoring server;
editing this copy changes nothing except your own understanding.
"""

import jax, jax.numpy as jnp
import numpy as np

CHUNK_DIVISOR = 4

def setup_inputs(seed: int = 0) -> dict:
    key = jax.random.key(seed)
    k1, k2 = jax.random.split(key)
    B, L, D = 4, 8192, 1024
    hidden_states = jax.random.normal(k1, (B, L, D), dtype=jnp.float32)
    boundary_mask = jax.random.randint(k2, (B, L), 0, 2).astype(jnp.bool_)
    return {"hidden_states": hidden_states, "boundary_mask": boundary_mask}

def reference(hidden_states, boundary_mask):
    B, L, D = hidden_states.shape
    max_chunks = L // CHUNK_DIVISOR
    num_chunks = boundary_mask.sum(axis=-1)
    num_chunks = jnp.minimum(num_chunks, max_chunks)
    token_idx = jnp.arange(L, dtype=jnp.int32)[None, :] + (~boundary_mask).astype(jnp.int32) * L
    sorted_idx = jnp.argsort(token_idx, axis=1)
    take_idx = sorted_idx[:, :max_chunks]
    chunked = jnp.take_along_axis(hidden_states, take_idx[:, :, None], axis=1)
    pad_mask = jnp.arange(max_chunks)[None, :] < num_chunks[:, None]
    chunked = chunked * pad_mask[:, :, None].astype(chunked.dtype)
    return (chunked, pad_mask, take_idx)

if __name__ == "__main__":
    import jax
    _d = setup_inputs()
    print(jax.jit(kernel)(*tuple(_d.values())))

</pallas_src>

<mosaic_0001>
#map = affine_map<(d0, d1) -> (0, 0)>
module attributes {stable_mosaic.version = 14 : i64} {
  func.func @_body(%arg0: i32, %arg1: i32, %arg2: memref<32768x1024xf32, #tpu.memory_space<hbm>>, %arg3: memref<4x8192xi32, #tpu.memory_space<hbm>>, %arg4: memref<8192x1024xf32, #tpu.memory_space<hbm>>, %arg5: memref<4x2048xi32, #tpu.memory_space<hbm>>, %arg6: memref<4x16xi32, #tpu.memory_space<hbm>>, %arg7: memref<8192xi32, #tpu.memory_space<vmem>>, %arg8: memref<8192xi32, #tpu.memory_space<vmem>>, %arg9: memref<2048xi32, #tpu.memory_space<vmem>>, %arg10: memref<16xi32, #tpu.memory_space<vmem>>, %arg11: memref<256xi32, #tpu.memory_space<vmem>>, %arg12: memref<16xi32, #tpu.memory_space<vmem>>, %arg13: memref<32x1024xf32, #tpu.memory_space<vmem>>, %arg14: memref<32x1024xf32, #tpu.memory_space<vmem>>, %arg15: memref<32x1024xf32, #tpu.memory_space<vmem>>, %arg16: memref<4x2048xi32, #tpu.memory_space<vmem_shared>>, %arg17: memref<4x16xi32, #tpu.memory_space<vmem_shared>>, %arg18: memref<!tpu.dma_semaphore, #tpu.memory_space<semaphore_mem>>, %arg19: memref<!tpu.dma_semaphore, #tpu.memory_space<semaphore_mem>>, %arg20: memref<!tpu.dma_semaphore, #tpu.memory_space<semaphore_mem>>, %arg21: memref<!tpu.dma_semaphore, #tpu.memory_space<semaphore_mem>>, %arg22: memref<!tpu.dma_semaphore, #tpu.memory_space<semaphore_mem>>, %arg23: memref<!tpu.dma_semaphore, #tpu.memory_space<semaphore_mem>>) attributes {dimension_semantics = [#tpu.dimension_semantics<core_parallel>, #tpu.dimension_semantics<subcore_parallel>], iteration_bounds = array<i64: 2, 16>, scalar_prefetch = 0 : i64, scratch_operands = 17 : i64, tpu.core_type = #tpu.core_type<sc_vector_subcore>, window_params = [{transform_indices = #map}, {transform_indices = #map}, {transform_indices = #map}, {transform_indices = #map}, {transform_indices = #map}]} {
    %iota3A = tpu.iota {dimensions = array<i32: 0>} : vector<16xi32>
    %lt3A = arith.constant 4 : i32
    %lt3A_0 = arith.cmpi slt, %arg1, %lt3A : i32
    %convert_element_type3A = arith.extui %lt3A_0 : i1 to i32
    %cond3A = arith.constant 0 : i32
    %cond3A_1 = arith.cmpi ne, %convert_element_type3A, %cond3A : i32
    scf.if %cond3A_1 {
      "tpu.region"() ({
        %run_scoped3A = tpu.sem_alloc : memref<!tpu.dma_semaphore, #tpu.memory_space<semaphore_mem>>
        %dma_start3A = arith.constant 0 : i32
        %dma_start3A_170 = tpu.memref_slice %arg3[%arg1, %dma_start3A] : memref<4x8192xi32, #tpu.memory_space<hbm>> -> memref<1x8192xi32, #tpu.memory_space<hbm>>
        %dma_start3A_171 = tpu.memref_squeeze %dma_start3A_170 : memref<1x8192xi32, #tpu.memory_space<hbm>> -> memref<8192xi32, #tpu.memory_space<hbm>>
        %dma_start3A_172 = arith.constant 0 : i32
        %dma_start3A_173 = tpu.memref_slice %arg3[%arg1, %dma_start3A_172] : memref<4x8192xi32, #tpu.memory_space<hbm>> -> memref<1x8192xi32, #tpu.memory_space<hbm>>
        %dma_start3A_174 = tpu.memref_squeeze %dma_start3A_173 : memref<1x8192xi32, #tpu.memory_space<hbm>> -> memref<8192xi32, #tpu.memory_space<hbm>>
        tpu.enqueue_dma source(%dma_start3A_174 : memref<8192xi32, #tpu.memory_space<hbm>>) target(%arg7 : memref<8192xi32, #tpu.memory_space<vmem>>) target_semaphore(%run_scoped3A : memref<!tpu.dma_semaphore, #tpu.memory_space<semaphore_mem>>)
        %dma_wait3A = arith.constant 0 : i32
        %dma_wait3A_175 = tpu.memref_slice %arg3[%arg1, %dma_wait3A] : memref<4x8192xi32, #tpu.memory_space<hbm>> -> memref<1x8192xi32, #tpu.memory_space<hbm>>
        %dma_wait3A_176 = tpu.memref_squeeze %dma_wait3A_175 : memref<1x8192xi32, #tpu.memory_space<hbm>> -> memref<8192xi32, #tpu.memory_space<hbm>>
        %dma_wait3A_177 = arith.constant 0 : i32
        %dma_wait3A_178 = tpu.memref_slice %arg3[%arg1, %dma_wait3A_177] : memref<4x8192xi32, #tpu.memory_space<hbm>> -> memref<1x8192xi32, #tpu.memory_space<hbm>>
        %dma_wait3A_179 = tpu.memref_squeeze %dma_wait3A_178 : memref<1x8192xi32, #tpu.memory_space<hbm>> -> memref<8192xi32, #tpu.memory_space<hbm>>
        tpu.wait_dma2 semaphore(%run_scoped3A : memref<!tpu.dma_semaphore, #tpu.memory_space<semaphore_mem>>) src(%dma_wait3A_179 : memref<8192xi32, #tpu.memory_space<hbm>>) dst(%arg7 : memref<8192xi32, #tpu.memory_space<vmem>>)
        tpu.yield
      }) : () -> ()
      %broadcast_in_dim3A = arith.constant 0 : i32
      %broadcast_in_dim3A_143 = vector.broadcast %broadcast_in_dim3A : i32 to vector<16xi32>
      %scan3A = arith.constant 0 : i32
      %scan3A_144 = arith.constant 512 : i32
      %scan3A_145 = arith.addi %scan3A, %scan3A_144 : i32
      %scan3A_146 = arith.constant 1 : i32
      %scan3A_147 = scf.for %scan3A_170 = %scan3A to %scan3A_145 step %scan3A_146 iter_args(%scan3A_171 = %broadcast_in_dim3A_143) -> (vector<16xi32>)  : i32 {
        %mul3A_172 = arith.constant 16 : i32
        %mul3A_173 = arith.muli %scan3A_170, %mul3A_172 : i32
        %get3A_174 = arith.index_cast %mul3A_173 : i32 to index
        %get3A_175 = tpu.vector_load %arg7[%get3A_174] {strides = array<i32>} : memref<8192xi32, #tpu.memory_space<vmem>>, vector<16xi32>,
        %gt3A = arith.constant 0 : i32
        %gt3A_176 = vector.broadcast %gt3A : i32 to vector<16xi32>
        %gt3A_177 = arith.cmpi sgt, %get3A_175, %gt3A_176 : vector<16xi32>
        %cumsum3A = arith.constant true
        %cumsum3A_178 = vector.broadcast %cumsum3A : i1 to vector<16xi1>
        %cumsum3A_179 = tpu.scan <sum>, %get3A_175 masked %cumsum3A_178 : vector<16xi32>, vector<16xi1> -> vector<16xi32>
        %add3A_180 = arith.addi %cumsum3A_179, %scan3A_171 : vector<16xi32>
        %mul3A_181 = arith.constant 16 : i32
        %mul3A_182 = arith.muli %scan3A_170, %mul3A_181 : i32
        %swap3A_183 = arith.index_cast %mul3A_182 : i32 to index
        %swap3A_184 = tpu.vector_load %arg8[%swap3A_183] {strides = array<i32>} : memref<8192xi32, #tpu.memory_space<vmem>>, vector<16xi32>,
        tpu.vector_store %arg8[%swap3A_183], %add3A_180 {strides = array<i32>} : memref<8192xi32, #tpu.memory_space<vmem>>, vector<16xi32>,
        %mul3A_185 = arith.constant 16 : i32
        %mul3A_186 = arith.muli %scan3A_170, %mul3A_185 : i32
        %add3A_187 = vector.broadcast %mul3A_186 : i32 to vector<16xi32>
        %add3A_188 = arith.addi %iota3A, %add3A_187 : vector<16xi32>
        %sub3A_189 = arith.constant 1 : i32
        %sub3A_190 = vector.broadcast %sub3A_189 : i32 to vector<16xi32>
        %sub3A_191 = arith.subi %add3A_180, %sub3A_190 : vector<16xi32>
        %lt3A_192 = arith.constant 2048 : i32
        %lt3A_193 = vector.broadcast %lt3A_192 : i32 to vector<16xi32>
        %lt3A_194 = arith.cmpi slt, %sub3A_191, %lt3A_193 : vector<16xi32>
        %and3A_195 = arith.andi %gt3A_177, %lt3A_194 : vector<16xi1>
        tpu.vector_store_idx %arg9[%sub3A_191], %add3A_188 masked %and3A_195 : memref<2048xi32, #tpu.memory_space<vmem>>[vector<16xi32>], vector<16xi32>, vector<16xi1>
        %all_reduce_population_count3A = tpu.all_reduce %gt3A_177 {dim = 0 : i64, kind = #tpu.reduction_kind<sum>} : vector<16xi1> -> vector<16xi32>
        %add3A_196 = arith.addi %scan3A_171, %all_reduce_population_count3A : vector<16xi32>
        scf.yield %add3A_196 : vector<16xi32>
      }
      %scan3A_148 = arith.constant 512 : i32
      %reduce_max3A_149 = arith.constant true
      %reduce_max3A_150 = vector.broadcast %reduce_max3A_149 : i1 to vector<16xi1>
      %reduce_max3A_151 = arith.constant -2147483648 : i32
      %reduce_max3A_152 = vector.broadcast %reduce_max3A_151 : i32 to vector<16xi32>
      %reduce_max3A_153 = arith.xori %scan3A_147, %reduce_max3A_152 : vector<16xi32>
      %reduce_max3A_154 = tpu.scan <max>, %reduce_max3A_153 masked %reduce_max3A_150 : vector<16xi32>, vector<16xi1> -> vector<16xi32>
      %reduce_max3A_155 = arith.xori %reduce_max3A_154, %reduce_max3A_152 : vector<16xi32>
      %reduce_max3A_156 = vector.extract %reduce_max3A_155[15] : i32 from vector<16xi32>
      %lt3A_157 = arith.constant 2048 : i32
      %lt3A_158 = arith.cmpi slt, %reduce_max3A_156, %lt3A_157 : i32
      %convert_element_type3A_159 = arith.extui %lt3A_158 : i1 to i32
      %cond3A_160 = arith.constant 0 : i32
      %cond3A_161 = arith.cmpi ne, %convert_element_type3A_159, %cond3A_160 : i32
      scf.if %cond3A_161 {
        %scan3A_170 = arith.constant 0 : i32
        %scan3A_171 = arith.constant 0 : i32
        %scan3A_172 = arith.constant 512 : i32
        %scan3A_173 = arith.addi %scan3A_171, %scan3A_172 : i32
        %scan3A_174 = arith.constant 1 : i32
        scf.for %scan3A_176 = %scan3A_171 to %scan3A_173 step %scan3A_174  : i32 {
          %mul3A_177 = arith.constant 16 : i32
          %mul3A_178 = arith.muli %scan3A_176, %mul3A_177 : i32
          %get3A_179 = arith.index_cast %mul3A_178 : i32 to index
          %get3A_180 = tpu.vector_load %arg7[%get3A_179] {strides = array<i32>} : memref<8192xi32, #tpu.memory_space<vmem>>, vector<16xi32>,
          %mul3A_181 = arith.constant 16 : i32
          %mul3A_182 = arith.muli %scan3A_176, %mul3A_181 : i32
          %get3A_183 = arith.index_cast %mul3A_182 : i32 to index
          %get3A_184 = tpu.vector_load %arg8[%get3A_183] {strides = array<i32>} : memref<8192xi32, #tpu.memory_space<vmem>>, vector<16xi32>,
          %mul3A_185 = arith.constant 16 : i32
          %mul3A_186 = arith.muli %scan3A_176, %mul3A_185 : i32
          %add3A_187 = vector.broadcast %mul3A_186 : i32 to vector<16xi32>
          %add3A_188 = arith.addi %iota3A, %add3A_187 : vector<16xi32>
          %add3A_189 = vector.broadcast %reduce_max3A_156 : i32 to vector<16xi32>
          %add3A_190 = arith.addi %add3A_189, %add3A_188 : vector<16xi32>
          %sub3A_191 = arith.subi %add3A_190, %get3A_184 : vector<16xi32>
          %eq3A_192 = arith.constant 0 : i32
          %eq3A_193 = vector.broadcast %eq3A_192 : i32 to vector<16xi32>
          %eq3A_194 = arith.cmpi eq, %get3A_180, %eq3A_193 : vector<16xi32>
          %lt3A_195 = arith.constant 2048 : i32
          %lt3A_196 = vector.broadcast %lt3A_195 : i32 to vector<16xi32>
          %lt3A_197 = arith.cmpi slt, %sub3A_191, %lt3A_196 : vector<16xi32>
          %and3A_198 = arith.andi %eq3A_194, %lt3A_197 : vector<16xi1>
          tpu.vector_store_idx %arg9[%sub3A_191], %add3A_188 masked %and3A_198 : memref<2048xi32, #tpu.memory_space<vmem>>[vector<16xi32>], vector<16xi32>, vector<16xi1>
        }
        %scan3A_175 = arith.constant 512 : i32
      } else {
      }
      %broadcast_in_dim3A_162 = vector.broadcast %reduce_max3A_156 : i32 to vector<16xi32>
      %swap3A_163 = arith.constant 0 : index
      %swap3A_164 = tpu.vector_load %arg10[%swap3A_163] {strides = array<i32>} : memref<16xi32, #tpu.memory_space<vmem>>, vector<16xi32>,
      tpu.vector_store %arg10[%swap3A_163], %broadcast_in_dim3A_162 {strides = array<i32>} : memref<16xi32, #tpu.memory_space<vmem>>, vector<16xi32>,
      "tpu.region"() ({
        %run_scoped3A = tpu.sem_alloc : memref<!tpu.dma_semaphore, #tpu.memory_space<semaphore_mem>>
        %dma_start3A = arith.constant 0 : i32
        %dma_start3A_170 = tpu.memref_slice %arg16[%arg1, %dma_start3A] : memref<4x2048xi32, #tpu.memory_space<vmem_shared>> -> memref<1x2048xi32, #tpu.memory_space<vmem_shared>>
        %dma_start3A_171 = tpu.memref_squeeze %dma_start3A_170 : memref<1x2048xi32, #tpu.memory_space<vmem_shared>> -> memref<2048xi32, #tpu.memory_space<vmem_shared>>
        %dma_start3A_172 = arith.constant 0 : i32
        %dma_start3A_173 = tpu.memref_slice %arg16[%arg1, %dma_start3A_172] : memref<4x2048xi32, #tpu.memory_space<vmem_shared>> -> memref<1x2048xi32, #tpu.memory_space<vmem_shared>>
        %dma_start3A_174 = tpu.memref_squeeze %dma_start3A_173 : memref<1x2048xi32, #tpu.memory_space<vmem_shared>> -> memref<2048xi32, #tpu.memory_space<vmem_shared>>
        tpu.enqueue_dma source(%arg9 : memref<2048xi32, #tpu.memory_space<vmem>>) target(%dma_start3A_174 : memref<2048xi32, #tpu.memory_space<vmem_shared>>) target_semaphore(%run_scoped3A : memref<!tpu.dma_semaphore, #tpu.memory_space<semaphore_mem>>)
        %dma_wait3A = arith.constant 0 : i32
        %dma_wait3A_175 = tpu.memref_slice %arg16[%arg1, %dma_wait3A] : memref<4x2048xi32, #tpu.memory_space<vmem_shared>> -> memref<1x2048xi32, #tpu.memory_space<vmem_shared>>
        %dma_wait3A_176 = tpu.memref_squeeze %dma_wait3A_175 : memref<1x2048xi32, #tpu.memory_space<vmem_shared>> -> memref<2048xi32, #tpu.memory_space<vmem_shared>>
        %dma_wait3A_177 = arith.constant 0 : i32
        %dma_wait3A_178 = tpu.memref_slice %arg16[%arg1, %dma_wait3A_177] : memref<4x2048xi32, #tpu.memory_space<vmem_shared>> -> memref<1x2048xi32, #tpu.memory_space<vmem_shared>>
        %dma_wait3A_179 = tpu.memref_squeeze %dma_wait3A_178 : memref<1x2048xi32, #tpu.memory_space<vmem_shared>> -> memref<2048xi32, #tpu.memory_space<vmem_shared>>
        tpu.wait_dma2 semaphore(%run_scoped3A : memref<!tpu.dma_semaphore, #tpu.memory_space<semaphore_mem>>) src(%arg9 : memref<2048xi32, #tpu.memory_space<vmem>>) dst(%dma_wait3A_179 : memref<2048xi32, #tpu.memory_space<vmem_shared>>)
        tpu.yield
      }) : () -> ()
      "tpu.region"() ({
        %run_scoped3A = tpu.sem_alloc : memref<!tpu.dma_semaphore, #tpu.memory_space<semaphore_mem>>
        %dma_start3A = arith.constant 0 : i32
        %dma_start3A_170 = tpu.memref_slice %arg17[%arg1, %dma_start3A] : memref<4x16xi32, #tpu.memory_space<vmem_shared>> -> memref<1x16xi32, #tpu.memory_space<vmem_shared>>
        %dma_start3A_171 = tpu.memref_squeeze %dma_start3A_170 : memref<1x16xi32, #tpu.memory_space<vmem_shared>> -> memref<16xi32, #tpu.memory_space<vmem_shared>>
        %dma_start3A_172 = arith.constant 0 : i32
        %dma_start3A_173 = tpu.memref_slice %arg17[%arg1, %dma_start3A_172] : memref<4x16xi32, #tpu.memory_space<vmem_shared>> -> memref<1x16xi32, #tpu.memory_space<vmem_shared>>
        %dma_start3A_174 = tpu.memref_squeeze %dma_start3A_173 : memref<1x16xi32, #tpu.memory_space<vmem_shared>> -> memref<16xi32, #tpu.memory_space<vmem_shared>>
        tpu.enqueue_dma source(%arg10 : memref<16xi32, #tpu.memory_space<vmem>>) target(%dma_start3A_174 : memref<16xi32, #tpu.memory_space<vmem_shared>>) target_semaphore(%run_scoped3A : memref<!tpu.dma_semaphore, #tpu.memory_space<semaphore_mem>>)
        %dma_wait3A = arith.constant 0 : i32
        %dma_wait3A_175 = tpu.memref_slice %arg17[%arg1, %dma_wait3A] : memref<4x16xi32, #tpu.memory_space<vmem_shared>> -> memref<1x16xi32, #tpu.memory_space<vmem_shared>>
        %dma_wait3A_176 = tpu.memref_squeeze %dma_wait3A_175 : memref<1x16xi32, #tpu.memory_space<vmem_shared>> -> memref<16xi32, #tpu.memory_space<vmem_shared>>
        %dma_wait3A_177 = arith.constant 0 : i32
        %dma_wait3A_178 = tpu.memref_slice %arg17[%arg1, %dma_wait3A_177] : memref<4x16xi32, #tpu.memory_space<vmem_shared>> -> memref<1x16xi32, #tpu.memory_space<vmem_shared>>
        %dma_wait3A_179 = tpu.memref_squeeze %dma_wait3A_178 : memref<1x16xi32, #tpu.memory_space<vmem_shared>> -> memref<16xi32, #tpu.memory_space<vmem_shared>>
        tpu.wait_dma2 semaphore(%run_scoped3A : memref<!tpu.dma_semaphore, #tpu.memory_space<semaphore_mem>>) src(%arg10 : memref<16xi32, #tpu.memory_space<vmem>>) dst(%dma_wait3A_179 : memref<16xi32, #tpu.memory_space<vmem_shared>>)
        tpu.yield
      }) : () -> ()
      %eq3A_165 = arith.constant 0 : i32
      %eq3A_166 = arith.cmpi eq, %arg0, %eq3A_165 : i32
      %convert_element_type3A_167 = arith.extui %eq3A_166 : i1 to i32
      %cond3A_168 = arith.constant 0 : i32
      %cond3A_169 = arith.cmpi ne, %convert_element_type3A_167, %cond3A_168 : i32
      scf.if %cond3A_169 {
        "tpu.region"() ({
          %run_scoped3A = tpu.sem_alloc : memref<!tpu.dma_semaphore, #tpu.memory_space<semaphore_mem>>
          %dma_start3A = arith.constant 0 : i32
          %dma_start3A_170 = tpu.memref_slice %arg5[%arg1, %dma_start3A] : memref<4x2048xi32, #tpu.memory_space<hbm>> -> memref<1x2048xi32, #tpu.memory_space<hbm>>
          %dma_start3A_171 = tpu.memref_squeeze %dma_start3A_170 : memref<1x2048xi32, #tpu.memory_space<hbm>> -> memref<2048xi32, #tpu.memory_space<hbm>>
          %dma_start3A_172 = arith.constant 0 : i32
          %dma_start3A_173 = tpu.memref_slice %arg5[%arg1, %dma_start3A_172] : memref<4x2048xi32, #tpu.memory_space<hbm>> -> memref<1x2048xi32, #tpu.memory_space<hbm>>
          %dma_start3A_174 = tpu.memref_squeeze %dma_start3A_173 : memref<1x2048xi32, #tpu.memory_space<hbm>> -> memref<2048xi32, #tpu.memory_space<hbm>>
          tpu.enqueue_dma source(%arg9 : memref<2048xi32, #tpu.memory_space<vmem>>) target(%dma_start3A_174 : memref<2048xi32, #tpu.memory_space<hbm>>) target_semaphore(%run_scoped3A : memref<!tpu.dma_semaphore, #tpu.memory_space<semaphore_mem>>)
          %dma_wait3A = arith.constant 0 : i32
          %dma_wait3A_175 = tpu.memref_slice %arg5[%arg1, %dma_wait3A] : memref<4x2048xi32, #tpu.memory_space<hbm>> -> memref<1x2048xi32, #tpu.memory_space<hbm>>
          %dma_wait3A_176 = tpu.memref_squeeze %dma_wait3A_175 : memref<1x2048xi32, #tpu.memory_space<hbm>> -> memref<2048xi32, #tpu.memory_space<hbm>>
          %dma_wait3A_177 = arith.constant 0 : i32
          %dma_wait3A_178 = tpu.memref_slice %arg5[%arg1, %dma_wait3A_177] : memref<4x2048xi32, #tpu.memory_space<hbm>> -> memref<1x2048xi32, #tpu.memory_space<hbm>>
          %dma_wait3A_179 = tpu.memref_squeeze %dma_wait3A_178 : memref<1x2048xi32, #tpu.memory_space<hbm>> -> memref<2048xi32, #tpu.memory_space<hbm>>
          tpu.wait_dma2 semaphore(%run_scoped3A : memref<!tpu.dma_semaphore, #tpu.memory_space<semaphore_mem>>) src(%arg9 : memref<2048xi32, #tpu.memory_space<vmem>>) dst(%dma_wait3A_179 : memref<2048xi32, #tpu.memory_space<hbm>>)
          tpu.yield
        }) : () -> ()
        "tpu.region"() ({
          %run_scoped3A = tpu.sem_alloc : memref<!tpu.dma_semaphore, #tpu.memory_space<semaphore_mem>>
          %dma_start3A = arith.constant 0 : i32
          %dma_start3A_170 = tpu.memref_slice %arg6[%arg1, %dma_start3A] : memref<4x16xi32, #tpu.memory_space<hbm>> -> memref<1x16xi32, #tpu.memory_space<hbm>>
          %dma_start3A_171 = tpu.memref_squeeze %dma_start3A_170 : memref<1x16xi32, #tpu.memory_space<hbm>> -> memref<16xi32, #tpu.memory_space<hbm>>
          %dma_start3A_172 = arith.constant 0 : i32
          %dma_start3A_173 = tpu.memref_slice %arg6[%arg1, %dma_start3A_172] : memref<4x16xi32, #tpu.memory_space<hbm>> -> memref<1x16xi32, #tpu.memory_space<hbm>>
          %dma_start3A_174 = tpu.memref_squeeze %dma_start3A_173 : memref<1x16xi32, #tpu.memory_space<hbm>> -> memref<16xi32, #tpu.memory_space<hbm>>
          tpu.enqueue_dma source(%arg10 : memref<16xi32, #tpu.memory_space<vmem>>) target(%dma_start3A_174 : memref<16xi32, #tpu.memory_space<hbm>>) target_semaphore(%run_scoped3A : memref<!tpu.dma_semaphore, #tpu.memory_space<semaphore_mem>>)
          %dma_wait3A = arith.constant 0 : i32
          %dma_wait3A_175 = tpu.memref_slice %arg6[%arg1, %dma_wait3A] : memref<4x16xi32, #tpu.memory_space<hbm>> -> memref<1x16xi32, #tpu.memory_space<hbm>>
          %dma_wait3A_176 = tpu.memref_squeeze %dma_wait3A_175 : memref<1x16xi32, #tpu.memory_space<hbm>> -> memref<16xi32, #tpu.memory_space<hbm>>
          %dma_wait3A_177 = arith.constant 0 : i32
          %dma_wait3A_178 = tpu.memref_slice %arg6[%arg1, %dma_wait3A_177] : memref<4x16xi32, #tpu.memory_space<hbm>> -> memref<1x16xi32, #tpu.memory_space<hbm>>
          %dma_wait3A_179 = tpu.memref_squeeze %dma_wait3A_178 : memref<1x16xi32, #tpu.memory_space<hbm>> -> memref<16xi32, #tpu.memory_space<hbm>>
          tpu.wait_dma2 semaphore(%run_scoped3A : memref<!tpu.dma_semaphore, #tpu.memory_space<semaphore_mem>>) src(%arg10 : memref<16xi32, #tpu.memory_space<vmem>>) dst(%dma_wait3A_179 : memref<16xi32, #tpu.memory_space<hbm>>)
          tpu.yield
        }) : () -> ()
      } else {
      }
    } else {
    }
    %barrier3A = arith.constant 0 : index
    tpu.barrier barrier_id(%barrier3A)
    %mul3A = arith.constant 16 : i32
    %mul3A_2 = arith.muli %arg0, %mul3A : i32
    %add3A = arith.addi %mul3A_2, %arg1 : i32
    %jit3A = arith.constant 8 : i32
    %div3A = arith.divsi %add3A, %jit3A : i32
    %sign3A = arith.constant 0 : i32
    %sign3A_3 = arith.cmpi sgt, %add3A, %sign3A : i32
    %sign3A_4 = arith.extui %sign3A_3 : i1 to i32
    %sign3A_5 = arith.constant 0 : i32
    %sign3A_6 = arith.cmpi slt, %add3A, %sign3A_5 : i32
    %sign3A_7 = arith.extui %sign3A_6 : i1 to i32
    %sign3A_8 = arith.subi %sign3A_4, %sign3A_7 : i32
    %sign3A_9 = arith.constant 0 : i32
    %sign3A_10 = arith.cmpi sgt, %jit3A, %sign3A_9 : i32
    %sign3A_11 = arith.extui %sign3A_10 : i1 to i32
    %sign3A_12 = arith.constant 0 : i32
    %sign3A_13 = arith.cmpi slt, %jit3A, %sign3A_12 : i32
    %sign3A_14 = arith.extui %sign3A_13 : i1 to i32
    %sign3A_15 = arith.subi %sign3A_11, %sign3A_14 : i32
    %ne3A = arith.cmpi ne, %sign3A_8, %sign3A_15 : i32
    %rem3A = arith.remsi %add3A, %jit3A : i32
    %ne3A_16 = arith.constant 0 : i32
    %ne3A_17 = arith.cmpi ne, %rem3A, %ne3A_16 : i32
    %and3A = arith.andi %ne3A, %ne3A_17 : i1
    %sub3A = arith.constant 1 : i32
    %sub3A_18 = arith.subi %div3A, %sub3A : i32
    %select_n3A = arith.select %and3A, %sub3A_18, %div3A : i32
    %jit3A_19 = arith.constant 8 : i32
    %eq3A = arith.constant 0 : i32
    %eq3A_20 = arith.cmpi eq, %jit3A_19, %eq3A : i32
    %jit3A_21 = arith.constant 1 : i32
    %select_n3A_22 = arith.select %eq3A_20, %jit3A_21, %jit3A_19 : i32
    %rem3A_23 = arith.remsi %add3A, %select_n3A_22 : i32
    %ne3A_24 = arith.constant 0 : i32
    %ne3A_25 = arith.cmpi ne, %rem3A_23, %ne3A_24 : i32
    %lt3A_26 = arith.constant 0 : i32
    %lt3A_27 = arith.cmpi slt, %rem3A_23, %lt3A_26 : i32
    %lt3A_28 = arith.constant 0 : i32
    %lt3A_29 = arith.cmpi slt, %select_n3A_22, %lt3A_28 : i32
    %ne3A_30 = arith.xori %lt3A_27, %lt3A_29 : i1
    %and3A_31 = arith.andi %ne3A_30, %ne3A_25 : i1
    %add3A_32 = arith.addi %rem3A_23, %select_n3A_22 : i32
    %select_n3A_33 = arith.select %and3A_31, %add3A_32, %rem3A_23 : i32
    %mul3A_34 = arith.constant 256 : i32
    %mul3A_35 = arith.muli %select_n3A_33, %mul3A_34 : i32
    %mul3A_36 = arith.constant 256 : i32
    %mul3A_37 = arith.muli %add3A, %mul3A_36 : i32
    "tpu.region"() ({
      %run_scoped3A = tpu.sem_alloc : memref<!tpu.dma_semaphore, #tpu.memory_space<semaphore_mem>>
      %dma_start3A = tpu.memref_slice %arg16[%select_n3A, %mul3A_35] : memref<4x2048xi32, #tpu.memory_space<vmem_shared>> -> memref<1x256xi32, #tpu.memory_space<vmem_shared>>
      %dma_start3A_143 = tpu.memref_squeeze %dma_start3A : memref<1x256xi32, #tpu.memory_space<vmem_shared>> -> memref<256xi32, #tpu.memory_space<vmem_shared>>
      %dma_start3A_144 = tpu.memref_slice %arg16[%select_n3A, %mul3A_35] : memref<4x2048xi32, #tpu.memory_space<vmem_shared>> -> memref<1x256xi32, #tpu.memory_space<vmem_shared>>
      %dma_start3A_145 = tpu.memref_squeeze %dma_start3A_144 : memref<1x256xi32, #tpu.memory_space<vmem_shared>> -> memref<256xi32, #tpu.memory_space<vmem_shared>>
      tpu.enqueue_dma source(%dma_start3A_145 : memref<256xi32, #tpu.memory_space<vmem_shared>>) target(%arg11 : memref<256xi32, #tpu.memory_space<vmem>>) target_semaphore(%run_scoped3A : memref<!tpu.dma_semaphore, #tpu.memory_space<semaphore_mem>>)
      %dma_wait3A = tpu.memref_slice %arg16[%select_n3A, %mul3A_35] : memref<4x2048xi32, #tpu.memory_space<vmem_shared>> -> memref<1x256xi32, #tpu.memory_space<vmem_shared>>
      %dma_wait3A_146 = tpu.memref_squeeze %dma_wait3A : memref<1x256xi32, #tpu.memory_space<vmem_shared>> -> memref<256xi32, #tpu.memory_space<vmem_shared>>
      %dma_wait3A_147 = tpu.memref_slice %arg16[%select_n3A, %mul3A_35] : memref<4x2048xi32, #tpu.memory_space<vmem_shared>> -> memref<1x256xi32, #tpu.memory_space<vmem_shared>>
      %dma_wait3A_148 = tpu.memref_squeeze %dma_wait3A_147 : memref<1x256xi32, #tpu.memory_space<vmem_shared>> -> memref<256xi32, #tpu.memory_space<vmem_shared>>
      tpu.wait_dma2 semaphore(%run_scoped3A : memref<!tpu.dma_semaphore, #tpu.memory_space<semaphore_mem>>) src(%dma_wait3A_148 : memref<256xi32, #tpu.memory_space<vmem_shared>>) dst(%arg11 : memref<256xi32, #tpu.memory_space<vmem>>)
      tpu.yield
    }) : () -> ()
    "tpu.region"() ({
      %run_scoped3A = tpu.sem_alloc : memref<!tpu.dma_semaphore, #tpu.memory_space<semaphore_mem>>
      %dma_start3A = arith.constant 0 : i32
      %dma_start3A_143 = tpu.memref_slice %arg17[%select_n3A, %dma_start3A] : memref<4x16xi32, #tpu.memory_space<vmem_shared>> -> memref<1x16xi32, #tpu.memory_space<vmem_shared>>
      %dma_start3A_144 = tpu.memref_squeeze %dma_start3A_143 : memref<1x16xi32, #tpu.memory_space<vmem_shared>> -> memref<16xi32, #tpu.memory_space<vmem_shared>>
      %dma_start3A_145 = arith.constant 0 : i32
      %dma_start3A_146 = tpu.memref_slice %arg17[%select_n3A, %dma_start3A_145] : memref<4x16xi32, #tpu.memory_space<vmem_shared>> -> memref<1x16xi32, #tpu.memory_space<vmem_shared>>
      %dma_start3A_147 = tpu.memref_squeeze %dma_start3A_146 : memref<1x16xi32, #tpu.memory_space<vmem_shared>> -> memref<16xi32, #tpu.memory_space<vmem_shared>>
      tpu.enqueue_dma source(%dma_start3A_147 : memref<16xi32, #tpu.memory_space<vmem_shared>>) target(%arg12 : memref<16xi32, #tpu.memory_space<vmem>>) target_semaphore(%run_scoped3A : memref<!tpu.dma_semaphore, #tpu.memory_space<semaphore_mem>>)
      %dma_wait3A = arith.constant 0 : i32
      %dma_wait3A_148 = tpu.memref_slice %arg17[%select_n3A, %dma_wait3A] : memref<4x16xi32, #tpu.memory_space<vmem_shared>> -> memref<1x16xi32, #tpu.memory_space<vmem_shared>>
      %dma_wait3A_149 = tpu.memref_squeeze %dma_wait3A_148 : memref<1x16xi32, #tpu.memory_space<vmem_shared>> -> memref<16xi32, #tpu.memory_space<vmem_shared>>
      %dma_wait3A_150 = arith.constant 0 : i32
      %dma_wait3A_151 = tpu.memref_slice %arg17[%select_n3A, %dma_wait3A_150] : memref<4x16xi32, #tpu.memory_space<vmem_shared>> -> memref<1x16xi32, #tpu.memory_space<vmem_shared>>
      %dma_wait3A_152 = tpu.memref_squeeze %dma_wait3A_151 : memref<1x16xi32, #tpu.memory_space<vmem_shared>> -> memref<16xi32, #tpu.memory_space<vmem_shared>>
      tpu.wait_dma2 semaphore(%run_scoped3A : memref<!tpu.dma_semaphore, #tpu.memory_space<semaphore_mem>>) src(%dma_wait3A_152 : memref<16xi32, #tpu.memory_space<vmem_shared>>) dst(%arg12 : memref<16xi32, #tpu.memory_space<vmem>>)
      tpu.yield
    }) : () -> ()
    %get3A = arith.constant 0 : index
    %get3A_38 = tpu.vector_load %arg12[%get3A] {strides = array<i32>} : memref<16xi32, #tpu.memory_space<vmem>>, vector<16xi32>,
    %reduce_max3A = arith.constant true
    %reduce_max3A_39 = vector.broadcast %reduce_max3A : i1 to vector<16xi1>
    %reduce_max3A_40 = arith.constant -2147483648 : i32
    %reduce_max3A_41 = vector.broadcast %reduce_max3A_40 : i32 to vector<16xi32>
    %reduce_max3A_42 = arith.xori %get3A_38, %reduce_max3A_41 : vector<16xi32>
    %reduce_max3A_43 = tpu.scan <max>, %reduce_max3A_42 masked %reduce_max3A_39 : vector<16xi32>, vector<16xi1> -> vector<16xi32>
    %reduce_max3A_44 = arith.xori %reduce_max3A_43, %reduce_max3A_41 : vector<16xi32>
    %reduce_max3A_45 = vector.extract %reduce_max3A_44[15] : i32 from vector<16xi32>
    %mul3A_46 = arith.constant 8192 : i32
    %mul3A_47 = arith.muli %select_n3A, %mul3A_46 : i32
    %get3A_48 = arith.constant 0 : index
    %get3A_49 = tpu.vector_load %arg11[%get3A_48] {strides = array<i32>} : memref<256xi32, #tpu.memory_space<vmem>>, vector<16xi32>,
    %add3A_50 = vector.broadcast %mul3A_47 : i32 to vector<16xi32>
    %add3A_51 = arith.addi %get3A_49, %add3A_50 : vector<16xi32>
    %swap3A = arith.constant 0 : index
    %swap3A_52 = tpu.vector_load %arg11[%swap3A] {strides = array<i32>} : memref<256xi32, #tpu.memory_space<vmem>>, vector<16xi32>,
    tpu.vector_store %arg11[%swap3A], %add3A_51 {strides = array<i32>} : memref<256xi32, #tpu.memory_space<vmem>>, vector<16xi32>,
    %get3A_53 = arith.constant 16 : index
    %get3A_54 = tpu.vector_load %arg11[%get3A_53] {strides = array<i32>} : memref<256xi32, #tpu.memory_space<vmem>>, vector<16xi32>,
    %add3A_55 = vector.broadcast %mul3A_47 : i32 to vector<16xi32>
    %add3A_56 = arith.addi %get3A_54, %add3A_55 : vector<16xi32>
    %swap3A_57 = arith.constant 16 : index
    %swap3A_58 = tpu.vector_load %arg11[%swap3A_57] {strides = array<i32>} : memref<256xi32, #tpu.memory_space<vmem>>, vector<16xi32>,
    tpu.vector_store %arg11[%swap3A_57], %add3A_56 {strides = array<i32>} : memref<256xi32, #tpu.memory_space<vmem>>, vector<16xi32>,
    %get3A_59 = arith.constant 32 : index
    %get3A_60 = tpu.vector_load %arg11[%get3A_59] {strides = array<i32>} : memref<256xi32, #tpu.memory_space<vmem>>, vector<16xi32>,
    %add3A_61 = vector.broadcast %mul3A_47 : i32 to vector<16xi32>
    %add3A_62 = arith.addi %get3A_60, %add3A_61 : vector<16xi32>
    %swap3A_63 = arith.constant 32 : index
    %swap3A_64 = tpu.vector_load %arg11[%swap3A_63] {strides = array<i32>} : memref<256xi32, #tpu.memory_space<vmem>>, vector<16xi32>,
    tpu.vector_store %arg11[%swap3A_63], %add3A_62 {strides = array<i32>} : memref<256xi32, #tpu.memory_space<vmem>>, vector<16xi32>,
    %get3A_65 = arith.constant 48 : index
    %get3A_66 = tpu.vector_load %arg11[%get3A_65] {strides = array<i32>} : memref<256xi32, #tpu.memory_space<vmem>>, vector<16xi32>,
    %add3A_67 = vector.broadcast %mul3A_47 : i32 to vector<16xi32>
    %add3A_68 = arith.addi %get3A_66, %add3A_67 : vector<16xi32>
    %swap3A_69 = arith.constant 48 : index
    %swap3A_70 = tpu.vector_load %arg11[%swap3A_69] {strides = array<i32>} : memref<256xi32, #tpu.memory_space<vmem>>, vector<16xi32>,
    tpu.vector_store %arg11[%swap3A_69], %add3A_68 {strides = array<i32>} : memref<256xi32, #tpu.memory_space<vmem>>, vector<16xi32>,
    %get3A_71 = arith.constant 64 : index
    %get3A_72 = tpu.vector_load %arg11[%get3A_71] {strides = array<i32>} : memref<256xi32, #tpu.memory_space<vmem>>, vector<16xi32>,
    %add3A_73 = vector.broadcast %mul3A_47 : i32 to vector<16xi32>
    %add3A_74 = arith.addi %get3A_72, %add3A_73 : vector<16xi32>
    %swap3A_75 = arith.constant 64 : index
    %swap3A_76 = tpu.vector_load %arg11[%swap3A_75] {strides = array<i32>} : memref<256xi32, #tpu.memory_space<vmem>>, vector<16xi32>,
    tpu.vector_store %arg11[%swap3A_75], %add3A_74 {strides = array<i32>} : memref<256xi32, #tpu.memory_space<vmem>>, vector<16xi32>,
    %get3A_77 = arith.constant 80 : index
    %get3A_78 = tpu.vector_load %arg11[%get3A_77] {strides = array<i32>} : memref<256xi32, #tpu.memory_space<vmem>>, vector<16xi32>,
    %add3A_79 = vector.broadcast %mul3A_47 : i32 to vector<16xi32>
    %add3A_80 = arith.addi %get3A_78, %add3A_79 : vector<16xi32>
    %swap3A_81 = arith.constant 80 : index
    %swap3A_82 = tpu.vector_load %arg11[%swap3A_81] {strides = array<i32>} : memref<256xi32, #tpu.memory_space<vmem>>, vector<16xi32>,
    tpu.vector_store %arg11[%swap3A_81], %add3A_80 {strides = array<i32>} : memref<256xi32, #tpu.memory_space<vmem>>, vector<16xi32>,
    %get3A_83 = arith.constant 96 : index
    %get3A_84 = tpu.vector_load %arg11[%get3A_83] {strides = array<i32>} : memref<256xi32, #tpu.memory_space<vmem>>, vector<16xi32>,
    %add3A_85 = vector.broadcast %mul3A_47 : i32 to vector<16xi32>
    %add3A_86 = arith.addi %get3A_84, %add3A_85 : vector<16xi32>
    %swap3A_87 = arith.constant 96 : index
    %swap3A_88 = tpu.vector_load %arg11[%swap3A_87] {strides = array<i32>} : memref<256xi32, #tpu.memory_space<vmem>>, vector<16xi32>,
    tpu.vector_store %arg11[%swap3A_87], %add3A_86 {strides = array<i32>} : memref<256xi32, #tpu.memory_space<vmem>>, vector<16xi32>,
    %get3A_89 = arith.constant 112 : index
    %get3A_90 = tpu.vector_load %arg11[%get3A_89] {strides = array<i32>} : memref<256xi32, #tpu.memory_space<vmem>>, vector<16xi32>,
    %add3A_91 = vector.broadcast %mul3A_47 : i32 to vector<16xi32>
    %add3A_92 = arith.addi %get3A_90, %add3A_91 : vector<16xi32>
    %swap3A_93 = arith.constant 112 : index
    %swap3A_94 = tpu.vector_load %arg11[%swap3A_93] {strides = array<i32>} : memref<256xi32, #tpu.memory_space<vmem>>, vector<16xi32>,
    tpu.vector_store %arg11[%swap3A_93], %add3A_92 {strides = array<i32>} : memref<256xi32, #tpu.memory_space<vmem>>, vector<16xi32>,
    %get3A_95 = arith.constant 128 : index
    %get3A_96 = tpu.vector_load %arg11[%get3A_95] {strides = array<i32>} : memref<256xi32, #tpu.memory_space<vmem>>, vector<16xi32>,
    %add3A_97 = vector.broadcast %mul3A_47 : i32 to vector<16xi32>
    %add3A_98 = arith.addi %get3A_96, %add3A_97 : vector<16xi32>
    %swap3A_99 = arith.constant 128 : index
    %swap3A_100 = tpu.vector_load %arg11[%swap3A_99] {strides = array<i32>} : memref<256xi32, #tpu.memory_space<vmem>>, vector<16xi32>,
    tpu.vector_store %arg11[%swap3A_99], %add3A_98 {strides = array<i32>} : memref<256xi32, #tpu.memory_space<vmem>>, vector<16xi32>,
    %get3A_101 = arith.constant 144 : index
    %get3A_102 = tpu.vector_load %arg11[%get3A_101] {strides = array<i32>} : memref<256xi32, #tpu.memory_space<vmem>>, vector<16xi32>,
    %add3A_103 = vector.broadcast %mul3A_47 : i32 to vector<16xi32>
    %add3A_104 = arith.addi %get3A_102, %add3A_103 : vector<16xi32>
    %swap3A_105 = arith.constant 144 : index
    %swap3A_106 = tpu.vector_load %arg11[%swap3A_105] {strides = array<i32>} : memref<256xi32, #tpu.memory_space<vmem>>, vector<16xi32>,
    tpu.vector_store %arg11[%swap3A_105], %add3A_104 {strides = array<i32>} : memref<256xi32, #tpu.memory_space<vmem>>, vector<16xi32>,
    %get3A_107 = arith.constant 160 : index
    %get3A_108 = tpu.vector_load %arg11[%get3A_107] {strides = array<i32>} : memref<256xi32, #tpu.memory_space<vmem>>, vector<16xi32>,
    %add3A_109 = vector.broadcast %mul3A_47 : i32 to vector<16xi32>
    %add3A_110 = arith.addi %get3A_108, %add3A_109 : vector<16xi32>
    %swap3A_111 = arith.constant 160 : index
    %swap3A_112 = tpu.vector_load %arg11[%swap3A_111] {strides = array<i32>} : memref<256xi32, #tpu.memory_space<vmem>>, vector<16xi32>,
    tpu.vector_store %arg11[%swap3A_111], %add3A_110 {strides = array<i32>} : memref<256xi32, #tpu.memory_space<vmem>>, vector<16xi32>,
    %get3A_113 = arith.constant 176 : index
    %get3A_114 = tpu.vector_load %arg11[%get3A_113] {strides = array<i32>} : memref<256xi32, #tpu.memory_space<vmem>>, vector<16xi32>,
    %add3A_115 = vector.broadcast %mul3A_47 : i32 to vector<16xi32>
    %add3A_116 = arith.addi %get3A_114, %add3A_115 : vector<16xi32>
    %swap3A_117 = arith.constant 176 : index
    %swap3A_118 = tpu.vector_load %arg11[%swap3A_117] {strides = array<i32>} : memref<256xi32, #tpu.memory_space<vmem>>, vector<16xi32>,
    tpu.vector_store %arg11[%swap3A_117], %add3A_116 {strides = array<i32>} : memref<256xi32, #tpu.memory_space<vmem>>, vector<16xi32>,
    %get3A_119 = arith.constant 192 : index
    %get3A_120 = tpu.vector_load %arg11[%get3A_119] {strides = array<i32>} : memref<256xi32, #tpu.memory_space<vmem>>, vector<16xi32>,
    %add3A_121 = vector.broadcast %mul3A_47 : i32 to vector<16xi32>
    %add3A_122 = arith.addi %get3A_120, %add3A_121 : vector<16xi32>
    %swap3A_123 = arith.constant 192 : index
    %swap3A_124 = tpu.vector_load %arg11[%swap3A_123] {strides = array<i32>} : memref<256xi32, #tpu.memory_space<vmem>>, vector<16xi32>,
    tpu.vector_store %arg11[%swap3A_123], %add3A_122 {strides = array<i32>} : memref<256xi32, #tpu.memory_space<vmem>>, vector<16xi32>,
    %get3A_125 = arith.constant 208 : index
    %get3A_126 = tpu.vector_load %arg11[%get3A_125] {strides = array<i32>} : memref<256xi32, #tpu.memory_space<vmem>>, vector<16xi32>,
    %add3A_127 = vector.broadcast %mul3A_47 : i32 to vector<16xi32>
    %add3A_128 = arith.addi %get3A_126, %add3A_127 : vector<16xi32>
    %swap3A_129 = arith.constant 208 : index
    %swap3A_130 = tpu.vector_load %arg11[%swap3A_129] {strides = array<i32>} : memref<256xi32, #tpu.memory_space<vmem>>, vector<16xi32>,
    tpu.vector_store %arg11[%swap3A_129], %add3A_128 {strides = array<i32>} : memref<256xi32, #tpu.memory_space<vmem>>, vector<16xi32>,
    %get3A_131 = arith.constant 224 : index
    %get3A_132 = tpu.vector_load %arg11[%get3A_131] {strides = array<i32>} : memref<256xi32, #tpu.memory_space<vmem>>, vector<16xi32>,
    %add3A_133 = vector.broadcast %mul3A_47 : i32 to vector<16xi32>
    %add3A_134 = arith.addi %get3A_132, %add3A_133 : vector<16xi32>
    %swap3A_135 = arith.constant 224 : index
    %swap3A_136 = tpu.vector_load %arg11[%swap3A_135] {strides = array<i32>} : memref<256xi32, #tpu.memory_space<vmem>>, vector<16xi32>,
    tpu.vector_store %arg11[%swap3A_135], %add3A_134 {strides = array<i32>} : memref<256xi32, #tpu.memory_space<vmem>>, vector<16xi32>,
    %get3A_137 = arith.constant 240 : index
    %get3A_138 = tpu.vector_load %arg11[%get3A_137] {strides = array<i32>} : memref<256xi32, #tpu.memory_space<vmem>>, vector<16xi32>,
    %add3A_139 = vector.broadcast %mul3A_47 : i32 to vector<16xi32>
    %add3A_140 = arith.addi %get3A_138, %add3A_139 : vector<16xi32>
    %swap3A_141 = arith.constant 240 : index
    %swap3A_142 = tpu.vector_load %arg11[%swap3A_141] {strides = array<i32>} : memref<256xi32, #tpu.memory_space<vmem>>, vector<16xi32>,
    tpu.vector_store %arg11[%swap3A_141], %add3A_140 {strides = array<i32>} : memref<256xi32, #tpu.memory_space<vmem>>, vector<16xi32>,
    return
  }
}

</mosaic_0001>

<sc_bundles>
// kernel: _chunk_kernel.3.cloned.1.call-start
scs
__scs_entry_jumppad:
0x0: {  	(pc) =	sbr.rel $0x88, $3  }
0x1: {  	(tag) =	ssettag $0x0;
	lr =	simm.s32 $0x1  }
0x2: {  	[smem:$0x3F9F] =	sst lr;
	_ =	strace $0xD0000000  }
0x3: {  	_ = 	snop  }
0x4: {  	_ = 	snop  }
0x5: {  	_ = 	snop  }
0x6: {  	_ = 	snop  }
0x7: {  	_ = 	snop  }
__scs_overlays_trampoline_lowered:
0x8: {  	[smem:$0x3FAE] =	sst s0  }
0x9: {  	[smem:$0x3FAF] =	sst s1  }
0xa: {  	[smem:$0x3FB0] =	sst s2  }
0xb: {  	[smem:$0x3FB1] =	sst s3  }
0xc: {  	[smem:$0x3FB2] =	sst s4  }
0xd: {  	[smem:$0x3FB3] =	sst s5  }
0xe: {  	[smem:$0x3FB4] =	sst s6  }
0xf: {  	[smem:$0x3FB5] =	sst s7  }
0x10: {  	[smem:$0x3FB6] =	sst s8  }
0x11: {  	[smem:$0x3FB7] =	sst s9;
	s0 =	simm.s32 @!p0 $0x0  }
0x12: {  	s1 =	sld [smem:$0x3F9D];
	s0 =	simm.s32 @p0 $0x1  }
0x13: {  	[smem:$0x3FB8] =	sst s0;
	s0 =	simm.s32 @!p1 $0x0  }
0x14: {  	s2 =	sld [smem:$0x3F9C];
	s0 =	simm.s32 @p1 $0x1  }
0x15: {  	[smem:$0x3FB9] =	sst s0;
	s0 =	simm.s32 @!p2 $0x0  }
0x16: {  	s3 =	sld [smem:$0x3FDB];
	s0 =	simm.s32 @p2 $0x1  }
0x17: {  	s4 =	simm.s32 $0x1BF5;
	[smem:$0x3FBB] =	sst s0  }
0x18: {  	s0 =	sld [smem:$0x3F9E];
	_ =	swait.ge [sflag:s4], $0x0  }
0x19: {  	s7 =	sld [smem:$0x3F9F]  }
0x1a: {  	s8 =	sadd.s32 $0xFFFFE003, lr  }
0x1b: {  	s9 =	sadd.s32 $0xFFFFFEF7, lr;
	s5 =	simm.s32 $0xFFFFFFFF;
	p2 =	slt.u32 s8, $0xFFFFF086  }
0x1c: {  	p1 =	slt.u32 s9, $0xF7A;
	s5 =	simm.s32 @!p2 $0x0  }
0x1d: {  	s5 =	simm.s32 @p1 $0x1;
	p0 =	seq.s32 s7, s2  }
0x1e: {  	s7 =	smul.u32 @!p0 $0xF7A, s2;
	p2 =	seq.s32 @!p0 s5, $0x0  }
0x1f: {  	s9 =	smul.u32 $0xF7A, s1;
	s8 =	simm.s32 @!p0 $0x1BF5;
	p2 =	por !p2, p0  }
0x20: {  	[sflag:s8] =	ssyncset.s32 @!p0 $0xFFFFF086;
	s6 =	sadd.s32 @!p0 s3, s7;
	s7 =	simm.s32 @!p0 $0x108  }
0x21: {  	s3 =	sadd.s32 s3, s9;
	s6 =	sadd.s32 @!p0 $0x88, s6;
	s7 =	simm.s32 @p2 $0x1082  }
0x22: {  	[simem:s7], [sflag:s8] =	dma.local @!p0 [hbm:s6], $0xF7A  }
0x23: {  	s9 =	sor.u32 $0xD0000000, s2;
	s6 =	simm.s32 $0x108;
	_ =	swait.ge @!p0 [sflag:s8], $0x0  }
0x24: {  	s3 =	sadd.s32 $0x88, s3;
	s6 =	simm.s32 @!p1 $0x1082;
	[sflag:s4] =	ssyncset.s32 $0xFFFFF086  }
0x25: {  	[simem:s6], [sflag:s4] =	dma.local [hbm:s3], $0xF7A  }
0x26: {  	[smem:$0x3F9F] =	sst s1;
	(tag) =	ssettag s2;
	_ =	strace s9  }
0x27: {  	s1 =	sld [smem:$0x3FAF]  }
0x28: {  	s2 =	sld [smem:$0x3FB0]  }
0x29: {  	s4 =	sld [smem:$0x3FB2]  }
0x2a: {  	p0 =	seq.s32 s5, $0x0;
	s5 =	sld [smem:$0x3FB3]  }
0x2b: {  	s6 =	sld [smem:$0x3FB4]  }
0x2c: {  	s7 =	sld [smem:$0x3FB5]  }
0x2d: {  	s3 =	simm.s32 $0x108;
	s8 =	sld [smem:$0x3FB6]  }
0x2e: {  	s3 =	simm.s32 @!p0 $0x1082;
	s9 =	sld [smem:$0x3FB7]  }
0x2f: {  	lr =	sadd.s32 s0, s3;
	s0 =	sld [smem:$0x3FAE]  }
0x30: {  	s3 =	sld [smem:$0x3FB1]  }
0x31: {  	[smem:$0x3FBA] =	sst s10  }
0x32: {  	s10 =	sld [smem:$0x3FB8];
	_ =	sdelay $0x3  }
0x33: {  	p0 =	seq.s32 s10, $0x1;
	s10 =	sld [smem:$0x3FBA];
	_ =	sdelay $0x3  }
0x34: {  	[smem:$0x3FBA] =	sst s10  }
0x35: {  	s10 =	sld [smem:$0x3FB9];
	_ =	sdelay $0x3  }
0x36: {  	p1 =	seq.s32 s10, $0x1;
	s10 =	sld [smem:$0x3FBA];
	_ =	sdelay $0x3  }
0x37: {  	[smem:$0x3FBA] =	sst s10  }
0x38: {  	s10 =	sld [smem:$0x3FBB]  }
0x39: {  	_ = 	snop;
	(pc) =	sbr.ind lr, $3  }
0x3a: {  	_ = 	snop  }
0x3b: {  	_ = 	snop  }
0x3c: {  	p2 =	seq.s32 s10, $0x1;
	s10 =	sld [smem:$0x3FBA]  }
0x3d: {  	_ =	shalt  }
0x3e: {  	_ =	shalt  }
0x3f: {  	_ =	shalt  }
0x40: {  	_ =	shalt  }
0x41: {  	_ =	shalt  }
0x42: {  	_ =	shalt  }
0x43: {  	_ =	shalt  }
0x44: {  	_ =	shalt  }
0x45: {  	_ =	shalt  }
0x46: {  	_ =	shalt  }
0x47: {  	_ =	shalt  }
0x48: {  	_ =	shalt  }
0x49: {  	_ =	shalt  }
0x4a: {  	_ =	shalt  }
0x4b: {  	_ =	shalt  }
0x4c: {  	_ =	shalt  }
0x4d: {  	_ =	shalt  }
0x4e: {  	_ =	shalt  }
0x4f: {  	_ =	shalt  }
0x50: {  	_ =	shalt  }
0x51: {  	_ =	shalt  }
0x52: {  	_ =	shalt  }
0x53: {  	_ =	shalt  }
0x54: {  	_ =	shalt  }
0x55: {  	_ =	shalt  }
0x56: {  	_ =	shalt  }
0x57: {  	_ =	shalt  }
0x58: {  	_ =	shalt  }
0x59: {  	_ =	shalt  }
0x5a: {  	_ =	shalt  }
0x5b: {  	_ =	shalt  }
0x5c: {  	_ =	shalt  }
0x5d: {  	_ =	shalt  }
0x5e: {  	_ =	shalt  }
0x5f: {  	_ =	shalt  }
0x60: {  	_ =	shalt  }
0x61: {  	_ =	shalt  }
0x62: {  	_ =	shalt  }
0x63: {  	_ =	shalt  }
0x64: {  	_ =	shalt  }
0x65: {  	_ =	shalt  }
0x66: {  	_ =	shalt  }
0x67: {  	_ =	shalt  }
0x68: {  	_ =	shalt  }
0x69: {  	_ =	shalt  }
0x6a: {  	_ =	shalt  }
0x6b: {  	_ =	shalt  }
0x6c: {  	_ =	shalt  }
0x6d: {  	_ =	shalt  }
0x6e: {  	_ =	shalt  }
0x6f: {  	_ =	shalt  }
0x70: {  	_ =	shalt  }
0x71: {  	_ =	shalt  }
0x72: {  	_ =	shalt  }
0x73: {  	_ =	shalt  }
0x74: {  	_ =	shalt  }
0x75: {  	_ =	shalt  }
0x76: {  	_ =	shalt  }
0x77: {  	_ =	shalt  }
0x78: {  	_ =	shalt  }
0x79: {  	_ =	shalt  }
0x7a: {  	_ =	shalt  }
0x7b: {  	_ =	shalt  }
0x7c: {  	_ =	shalt  }
0x7d: {  	_ =	shalt  }
0x7e: {  	_ =	shalt  }
0x7f: {  	_ =	shalt  }
0x80: {  	_ =	shalt  }
0x81: {  	_ =	shalt  }
0x82: {  	_ =	shalt  }
0x83: {  	_ =	shalt  }
0x84: {  	_ =	shalt  }
0x85: {  	_ =	shalt  }
0x86: {  	_ =	shalt  }
0x87: {  	_ =	shalt  }
.Lfunc_end0:
.L_simem_size_0:
called_computation_lowered:
.L_overlay_start_0:
0x88: {  	s2 =	sld [smem:$0x3FD9]  }
0x89: {  	s3 =	sld [smem:$0x3FFE];
	_ =	sdelay $0x1  }
0x8a: {  	s1 =	srdreg.scid  }
0x8b: {  	s0 =	sand.u32 $0x1, s1  }
0x8c: {  	s15 =	sshll.u32 s0, $0xA;
	s2 =	sadd.s32 s3, s2  }
0x8d: {  	s2 =	sadd.s32 s2, s15  }
0x8e: {  	[smem:$0x3FC6] =	sst s2  }
0x8f: {  	_ = 	snop  }
0x90: {  	s2 =	sld [smem:$0x3FD0];
	_ =	sdelay $0x2  }
0x91: {  	s4 =	simm.s32 $0xA;
	s5 =	simm.s32 $0x10;
	s16 =	sld [smem:$0x3FC8]  }
0x92: {  	[smem:s5], [sflag:s4] =	dma.local [hbm:s2], $0x1  }
0x93: {  	_ =	swait.eq [sflag:s4], $0x1  }
0x94: {  	[sflag:s4] =	ssyncset.done $0x0  }
0x95: {  	s17 =	sld [smem:$0x11];
	[sflag:s4] =	ssyncadd.s32 $0xFFFFFFFF  }
0x96: {  	s18 =	sld [smem:$0x12];
	(tm) =	ssettm $0x1  }
0x97: {  	s19 =	sld [smem:$0x3FFB];
	_ =	sdelay $0x3  }
0x98: {  	_ =	strace s19  }
0x99: {  	s5 =	sld [smem:$0x3FFC];
	_ =	sdelay $0x3  }
0x9a: {  	_ =	strace s5  }
0x9b: {  	s5 =	sld [smem:$0x3FFD];
	_ =	sdelay $0x3  }
0x9c: {  	_ =	strace s5  }
0x9d: {  	_ =	strace $0x8FFFFFFF  }
0x9e: {  	s20 =	sld [smem:$0x3FDB];
	_ =	sdelay $0x1  }
0x9f: {  	s6 =	simm.s32 $_scs_section_size  }
0xa0: {  	s7 =	simm.s32 $_size__tile_overlayer_lowered;
	s8 =	simm.s32 $_tile_overlayer_lowered  }
0xa1: {  	s23 =	simm.s32 $0x1BFF;
	s22 =	sshll.u32 s8, $0x1;
	s5 =	sadd.s32 s6, s20  }
0xa2: {  	s9 =	simm.s32 $0x0;
	s21 =	sshll.u32 s7, $0x1;
	s7 =	sadd.s32 s22, s5  }
0xa3: {  	[timem:s9], [sflag:s23] =	dma.local [hbm:s7], s21  }
0xa4: {  	_ =	swait.ge [sflag:s23], s21  }
0xa5: {  	s6 =	ssub.s32 $0x0, s21;
	[sflag:s23] =	ssyncset.done $0x0  }
0xa6: {  	[sflag:s23] =	ssyncadd.s32 s6;
	_ =	sdelay $0x1  }
0xa7: {  	s24 =	simm.s32 $0x1B8B  }
0xa8: {  	_ =	swait.ge [sflag:s24], $0x1  }
0xa9: {  	[sflag:s24] =	ssyncset.done $0x0  }
0xaa: {  	s25 =	simm.s32 $0x1B8E;
	[sflag:s24] =	ssyncadd.s32 $0xFFFFFFFF  }
0xab: {  	s26 =	simm.s32 $execute0_lowered;
	[smem:$0x3FD2] =	sst s25  }
0xac: {  	s6 =	sshll.u32 s26, $0x1;
	_ =	strace $0x80000046;
	[dreg:$0x1] =	wrdreg $0xFFFFFFFF  }
0xad: {  	s28 =	simm.s32 $_size_execute0_lowered;
	s5 =	sadd.s32 s5, s6;
	[dreg:$0x0] =	wrdreg $0x0  }
0xae: {  	s6 =	sshll.u32 s28, $0x1;
	[dreg:$0x2] =	wrdreg s5  }
0xaf: {  	[dreg:$0x3] =	wrdreg s6  }
0xb0: {  	[dreg:$0x4] =	wrdreg $0xC0  }
0xb1: {  	_ =	task [dreg:s9], $0x5FFFF  }
0xb2: {  	[dreg:$0x1] =	wrdreg $0xFFFFFFFF  }
0xb3: {  	[dreg:$0x0] =	wrdreg $0x60  }
0xb4: {  	[dreg:$0x2] =	wrdreg s16  }
0xb5: {  	[dreg:$0x3] =	wrdreg s17  }
0xb6: {  	[dreg:$0x4] =	wrdreg s18  }
0xb7: {  	[dreg:$0x5] =	wrdreg $0x4C000  }
0xb8: {  	[dreg:$0x6] =	wrdreg $0x4A000  }
0xb9: {  	[dreg:$0x7] =	wrdreg $0x9  }
0xba: {  	_ =	task.clear_ibuf [dreg:s9], $0x8FFFF;
	_ =	strace $0x90000046  }
0xbb: {  	s29 =	simm.s32 $0x9;
	_ =	strace $0x80000048  }
0xbc: {  	_ =	swait.ge [sflag:s29], $0x1  }
0xbd: {  	[sflag:s29] =	ssyncadd.s32 $0xFFFFFFFF  }
0xbe: {  	_ =	strace $0x90000048  }
0xbf: {  	_ =	sfence  }
0xc0: {  	s30 =	sld [smem:$0x0];
	_ =	sdelay $0x2  }
0xc1: {  	s31 =	sshll.u32 s1, $0xD;
	s1 =	sshrl.u32 s1, $0x2  }
0xc2: {  	s3 =	sand.u32 $0x4000, s31;
	s1 =	sadd.s32 s1, s30  }
0xc3: {  	s0 =	sor.u32 s3, s0;
	s1 =	sshll.u32 s1, $0x11  }
0xc4: {  	s0 =	sor.u32 s1, s0  }
0xc5: {  	s0 =	sadd.s32 $0x8F2B, s0  }
0xc6: {  	[sflag:s0] =	ssyncadd.remote.s32 $0x1  }
0xc7: {  	_ =	sfence.sel $0xFFFF  }
0xc8: {  	[dreg:$0x0] =	wrdreg $0xFFFFFFFF;
	(pc) =	sbr.abs _section_cstart, $3  }
0xc9: {  	[dreg:$0x1] =	wrdreg $0xFFFFFFFF  }
0xca: {  	_ =	task.clear_ibuf [dreg:s9], $0x2FFFF;
	_ =	strace $0x9FFFFFFF  }
0xcb: {  	(tm) =	ssettm $0x7FFFFFFF  }
tec
execute0_lowered:
.L_overlay_start_1:
0x0: {  	(tag) =	ssettag $0x1  }
0x1: {  	s3 =	rddreg [dreg:$0x0]  }
0x2: {  	s6 =	rddreg [dreg:$0x1]  }
0x3: {  	s7 =	rddreg [dreg:$0x2]  }
0x4: {  	s10 =	rddreg [dreg:$0x3]  }
0x5: {  	s9 =	rddreg [dreg:$0x4]  }
0x6: {  	s0 =	rddreg [dreg:$0x5];
	s1 =	simm.s32 $0x0;
	s2 =	srdreg.scid  }
0x7: {  	s13 =	simm.s32 $0x1;
	s17 =	simm.s32 $0x4980;
	[smem:$0x7FF] =	sst s1  }
0x8: {  	s15 =	sand.u32 $0x1, s2;
	s2 =	stileid.u32;
	_ =	strace $0x80000047  }
0x9: {  	s4 =	sshll.u32 s15, $0x4;
	s5 =	ssub.s32 $0x2, s15;
	s11 =	sand.u32 $0x7, s2  }
0xa: {  	s26 =	sshll.u32 s2, $0x4;
	s28 =	sshll.u32 s2, $0x7;
	s4 =	sor.u32 s2, s4  }
0xb: {  	s8 =	sshrl.u32 s5, $0x1;
	p1 =	sne.s32 s11, $0x0;
	s3 =	sadd.s32 s3, s26  }
0xc: {  	s6 =	sadd.s32 s6, s26;
	s7 =	sadd.s32 s7, s26;
	p0 =	seq.s32 s4, $0x0  }
0xd: {  	s11 =	sshll.u32 s11, $0xA;
	s12 =	ssub.s32 s5, s8;
	p0 =	por !p1, !p0  }
0xe: {  	s14 =	sshrl.u32 s4, $0x3;
	s4 =	sadd.s32 s28, s9;
	p0 =	por !p0, !p0  }
0xf: {  	s5 =	sadd.s32 s28, s10;
	s8 =	simm.s32 $0x1;
	s13 =	simm.s32 @!p0 $0x0  }
0x10: {  	p1 =	sne.s32 s15, $0x0;
	s15 =	simm.s32 $0x4800;
	s13 =	ssub.s32 s14, s13  }
0x11: {  	p0 =	sgt.u32 s2, $0x3;
	s14 =	sshll.u32 s13, $0xB;
	s16 =	sshll.u32 s13, $0x7  }
.Ltmp0:
0x12: {  	s29 =	sshll.u32 s13, $0x9;
	s31 =	sshll.u32 s13, $0xD;
	(pc) =	sbr.rel .LBB2_1-.Ltmp0, $4  }
0x13: {  	s13 =	simm.s32 $0x200;
	s14 =	sand.u32 $0xFFFFE000, s14;
	s30 =	sshra.s32 s29, $0x2  }
0x14: {  	s16 =	sand.u32 $0x180, s16;
	s9 =	sadd.s32 s14, s9;
	s10 =	sadd.s32 s30, s10  }
0x15: {  	s14 =	simm.s32 $0x4000;
	s9 =	sadd.s32 s11, s9;
	s11 =	smax.u32 s12, $0x1  }
0x16: {  	v1 =	vlaneseq.u32;
	v0 =	vmov s31;
	s12 =	simm.s32 $0x80;
	s9 =	sadd.s32 s16, s9;
	s16 =	simm.s32 $0x4880  }
.LBB2_7:
0x17: {  	v4 =	vld [tilespmem:s18+$0x0];
	_ =	sdelay $0x1  }
0x18: {  	v5 =	vor.u32 s20, v1  }
0x19: {  	v6 =	vadd.s32 v2, v5  }
0x1a: {  	v3 =	vsub.s32 v6, v3  }
0x1b: {  	vm1 =	vlt.s32 v3, $0x800;
	vm0 =	veq.s32 v4, $0x0  }
0x1c: {  	vm0 =	vmand vm0, vm1;
	_ =	sdelay $0x5  }
0x1d: {  	[tilespmem:v3+s14+$0x0] =	vst.idx.msk vm0, v5  }
.LBB2_8:
0x1e: {  	[tilespmem:$0x4800] =	vst v2  }
0x1f: {  	[spmem:s4] =	stream.strided.scatter [tilespmem:s14], [sflag:$0x1], $0x800, s13, s12, $0x38;
	[tilespmem:$0x4C08] =	vst v63  }
0x20: {  	_ =	swait.ge [sflag:s8], $0x800  }
0x21: {  	[sflag:s8] =	ssyncset.done $0x0  }
0x22: {  	[sflag:s8] =	ssyncadd.s32 $0xFFFFF800  }
0x23: {  	[spmem:s5] =	stream.linear.scatter [tilespmem:s15], [sflag:$0x1], $0x80, $0x38;
	[tilespmem:$0x4C08] =	vst v63  }
0x24: {  	_ =	swait.ge [sflag:s8], $0x80  }
0x25: {  	s18 =	simm.s32 @!p1 $0x80;
	[sflag:s8] =	ssyncset.done $0x0  }
0x26: {  	s19 =	simm.s32 @!p1 $0x200;
	s20 =	simm.s32 @!p1 $0x4000;
	[sflag:s8] =	ssyncadd.s32 $0xFFFFFF80  }
0x27: {  	[hbm4b:s6+s18] =	stream.strided.scatter @!p1 [tilespmem:s20], [sflag:$0x1], $0x800, s19, s18, $0x38;
	[tilespmem:$0x4C08] =	vst v63  }
0x28: {  	s18 =	simm.s32 @!p1 $0x1  }
0x29: {  	_ =	swait.ge @!p1 [sflag:s18], $0x800  }
0x2a: {  	[sflag:s18] =	ssyncset.done @!p1 $0x0  }
0x2b: {  	s19 =	simm.s32 @!p1 $0x0;
	s20 =	simm.s32 @!p1 $0x4800;
	[sflag:s18] =	ssyncadd.s32 @!p1 $0xFFFFF800  }
0x2c: {  	[hbm4b:s7+s19] =	stream.linear.scatter @!p1 [tilespmem:s20], [sflag:$0x1], $0x80, $0x38;
	[tilespmem:$0x4C08] =	vst v63  }
0x2d: {  	_ =	swait.ge @!p1 [sflag:s18], $0x80  }
0x2e: {  	[sflag:s18] =	ssyncset.done @!p1 $0x0  }
0x2f: {  	[sflag:s18] =	ssyncadd.s32 @!p1 $0xFFFFFF80  }
.LBB2_9:
0x30: {  	[bflag:$0x0] =	sbarrier.arrive $0xFFFF  }
0x31: {  	[tilespmem:s16], [sflag:$0x1] =	stream.strided.gather [spmem:s9], $0x100, s13, s12, $0x38;
	[tilespmem:$0x4C08] =	vst v63  }
0x32: {  	_ =	swait.ge [sflag:s8], $0x100  }
0x33: {  	[sflag:s8] =	ssyncset.done $0x0  }
0x34: {  	[sflag:s8] =	ssyncadd.s32 $0xFFFFFF00  }
0x35: {  	[tilespmem:s17], [sflag:$0x1] =	stream.linear.gather [spmem:s10], $0x80, $0x38;
	[tilespmem:$0x4C08] =	vst v63  }
0x36: {  	_ =	swait.ge [sflag:s8], $0x80  }
0x37: {  	[sflag:s8] =	ssyncset.done $0x0  }
0x38: {  	[sflag:s8] =	ssyncadd.s32 $0xFFFFFF80  }
0x39: {  	v2 =	vld [tilespmem:$0x4880]  }
0x3a: {  	v3 =	vld [tilespmem:$0x4890]  }
0x3b: {  	v4 =	vld [tilespmem:$0x48A0]  }
0x3c: {  	v5 =	vld [tilespmem:$0x48B0]  }
0x3d: {  	v6 =	vld [tilespmem:$0x48C0]  }
0x3e: {  	v7 =	vld [tilespmem:$0x48D0];
	v2 =	vadd.s32 v0, v2  }
0x3f: {  	[tilespmem:$0x4880] =	vst v2;
	v2 =	vadd.s32 v0, v3;
	v3 =	vld [tilespmem:$0x48E0]  }
0x40: {  	v56 =	vld [tilespmem:$0x48F0];
	[tilespmem:$0x4890] =	vst v2;
	v2 =	vadd.s32 v0, v4  }
0x41: {  	v57 =	vld [tilespmem:$0x4900];
	[tilespmem:$0x48A0] =	vst v2;
	v2 =	vadd.s32 v0, v5  }
0x42: {  	v58 =	vld [tilespmem:$0x4910];
	[tilespmem:$0x48B0] =	vst v2;
	v2 =	vadd.s32 v0, v6  }
0x43: {  	v59 =	vld [tilespmem:$0x4920];
	[tilespmem:$0x48C0] =	vst v2;
	v2 =	vadd.s32 v0, v7  }
0x44: {  	[tilespmem:$0x48D0] =	vst v2;
	v2 =	vadd.s32 v0, v3;
	v3 =	vld [tilespmem:$0x4930]  }
0x45: {  	v60 =	vld [tilespmem:$0x4940];
	[tilespmem:$0x48E0] =	vst v2;
	v2 =	vadd.s32 v0, v56  }
0x46: {  	v61 =	vld [tilespmem:$0x4950];
	[tilespmem:$0x48F0] =	vst v2;
	v2 =	vadd.s32 v0, v57  }
0x47: {  	v62 =	vld [tilespmem:$0x4960];
	[tilespmem:$0x4900] =	vst v2;
	v2 =	vadd.s32 v0, v58  }
0x48: {  	s1 =	sadd.s32 $0x1, s1;
	v63 =	vld [tilespmem:$0x4970];
	[tilespmem:$0x4910] =	vst v2;
	v2 =	vadd.s32 v0, v59  }
0x49: {  	p2 =	sne.s32 s1, s11;
	[tilespmem:$0x4920] =	vst v2;
	v2 =	vadd.s32 v0, v3  }
.Ltmp1:
0x4a: {  	[tilespmem:$0x4930] =	vst v2;
	v2 =	vadd.s32 v0, v60;
	(pc) =	sbr.rel @!p2 .LBB2_10-.Ltmp1, $4  }
0x4b: {  	[tilespmem:$0x4940] =	vst v2;
	v2 =	vadd.s32 v0, v61  }
0x4c: {  	[tilespmem:$0x4950] =	vst v2;
	v2 =	vadd.s32 v0, v62  }
0x4d: {  	[tilespmem:$0x4960] =	vst v2;
	v2 =	vadd.s32 v0, v63  }
0x4e: {  	[tilespmem:$0x4970] =	vst v2  }
.LBB2_1:
.Ltmp2:
0x4f: {  	(pc) =	sbr.rel @p0 .LBB2_9-.Ltmp2, $1  }
0x50: {  	_ =	sdelay $0x3  }
0x51: {  	s18 =	simm.s32 $0x0  }
0x52: {  	[tilespmem:s18], [sflag:$0x1] =	stream.strided.gather [hbm4b:s3+s12], $0x2000, s13, s12, $0x38;
	[tilespmem:$0x4C08] =	vst v63  }
0x53: {  	_ =	swait.ge [sflag:s8], $0x2000  }
0x54: {  	[sflag:s8] =	ssyncset.done $0x0  }
0x55: {  	[sflag:s8] =	ssyncadd.s32 $0xFFFFE000  }
0x56: {  	v2 =	vld [tilespmem:s18+$0x0];
	_ =	sdelay $0x4  }
0x57: {  	(xrf0) =	vadd.scan.msk.s32 $0xffff, v2;
	_ =	sdelay $0x5  }
0x58: {  	v4 =	vimm.s32 $0x0;
	v3, _, _ =	vpop (xrf0)  }
0x59: {  	v5 =	vadd.s32 v4, v3  }
0x5a: {  	v3 =	vadd.s32 $0xFFFFFFFF, v5  }
0x5b: {  	vm0 =	vgt.s32 v2, $0x0;
	vm1 =	vlt.s32 v3, $0x800  }
0x5c: {  	v2 =	vmpcnt.ones.xlane vm0;
	vm0 =	vmand vm0, vm1;
	_ =	sdelay $0x3  }
0x5d: {  	s19 =	simm.s32 $0x2000  }
0x5e: {  	s20 =	simm.s32 $0x10;
	v2 =	vadd.s32 v4, v2;
	v4 =	vor.u32 s18, v1;
	[tilespmem:s19+$0x0] =	vst v5  }
.LBB2_3:
0x5f: {  	p2 =	sne.s32 s20, $0x1FF0;
	[tilespmem:v3+s14+$0x0] =	vst.idx.msk vm0, v4;
	s18 =	sadd.s32 $0x10, s18;
	s19 =	sadd.s32 $0x10, s19  }
0x60: {  	s21 =	smov.u32 s20;
	s20 =	sadd.s32 $0x10, s20;
	v4 =	vld [tilespmem:s18+$0x0];
	_ =	sdelay $0x4  }
0x61: {  	(xrf0) =	vadd.scan.msk.s32 $0xffff, v4;
	_ =	sdelay $0x5  }
0x62: {  	v3, _, _ =	vpop (xrf0)  }
0x63: {  	v3 =	vadd.s32 v2, v3  }
0x64: {  	[tilespmem:s19+$0x0] =	vst v3;
	v3 =	vadd.s32 $0xFFFFFFFF, v3  }
0x65: {  	vm1 =	vgt.s32 v4, $0x0;
	vm0 =	vlt.s32 v3, $0x800  }
0x66: {  	v4 =	vmpcnt.ones.xlane vm1;
	vm0 =	vmand vm1, vm0  }
.Ltmp3:
0x67: {  	(pc) =	sbr.rel @p2 .LBB2_3-.Ltmp3, $2  }
0x68: {  	v2 =	vadd.s32 v2, v4;
	_ =	sdelay $0x2  }
0x69: {  	v4 =	vor.u32 s21, v1  }
0x6a: {  	v2 =	vxor.u32 $0x80000000, v2  }
0x6b: {  	(xrf0) =	vmax.scan.msk.u32 $0xffff, v2;
	_ =	sdelay $0x5  }
0x6c: {  	v2, _, _ =	vpop (xrf0)  }
0x6d: {  	(v2sf) =	vpush v2, $0xF;
	_ =	sdelay $0xe  }
0x6e: {  	s18 =	spop (v2sf)  }
0x6f: {  	s18 =	sxor.u32 $0x80000000, s18  }
0x70: {  	p2 =	sgt.s32 s18, $0x7FF  }
.Ltmp4:
0x71: {  	_ = 	snop;
	(pc) =	sbr.rel @p2 .LBB2_8-.Ltmp4, $2  }
0x72: {  	_ =	sdelay $0x2  }
0x73: {  	[tilespmem:v3+s14+$0x0] =	vst.idx.msk vm0, v4;
	v2 =	vmov s18  }
0x74: {  	s19 =	simm.s32 $0x2000  }
0x75: {  	s18 =	simm.s32 $0x0;
	s21 =	simm.s32 $0x10;
	s20 =	simm.s32 $0x0;
	v3 =	vld [tilespmem:s19+$0x0]  }
.LBB2_6:
0x76: {  	p2 =	sne.s32 s21, $0x1FF0;
	v4 =	vld [tilespmem:s18+$0x0];
	_ =	sdelay $0x1  }
0x77: {  	v5 =	vor.u32 s20, v1;
	s20 =	smov.u32 s21  }
0x78: {  	v6 =	vadd.s32 v2, v5  }
0x79: {  	v3 =	vsub.s32 v6, v3  }
0x7a: {  	vm1 =	vlt.s32 v3, $0x800;
	vm0 =	veq.s32 v4, $0x0  }
0x7b: {  	vm0 =	vmand vm0, vm1;
	_ =	sdelay $0x2  }
.Ltmp5:
0x7c: {  	(pc) =	sbr.rel @p2 .LBB2_6-.Ltmp5, $3  }
0x7d: {  	_ =	sdelay $0x1  }
0x7e: {  	s19 =	sadd.s32 $0x10, s19;
	[tilespmem:v3+s14+$0x0] =	vst.idx.msk vm0, v5  }
0x7f: {  	s21 =	sadd.s32 $0x10, s21;
	s18 =	sadd.s32 $0x10, s18;
	v3 =	vld [tilespmem:s19+$0x0]  }
.Ltmp6:
0x80: {  	_ = 	snop;
	(pc) =	sbr.rel .LBB2_7-.Ltmp6, $1  }
0x81: {  	_ =	sdelay $0x3  }
.LBB2_10:
0x82: {  	_ =	sfence.sel $0x180000  }
0x83: {  	[bflag:$0x0] =	sbarrier.arrive $0xFFFF  }
0x84: {  	p0 =	sne.s32 s2, $0x0;
	_ =	strace $0x90000047  }
0x85: {  	s0 =	sadd.s32 @!p0 $0x100000, s0;
	[bflag:$0x2] =	sbarrier.arrive $0xFFFF  }
0x86: {  	[sflag:s0] =	ssyncadd.tile.s32 @!p0 $0x1;
	_ =	shalt  }
.Lfunc_end2:
_tile_overlayer_lowered:
.L_overlay_start_2:
0x87: {  	(tag) =	ssettag $0x2  }
0x88: {  	s0 =	rddreg [dreg:$0x0];
	s2 =	stileid.u32  }
0x89: {  	s1 =	rddreg [dreg:$0x1];
	p0 =	sne.s32 s2, $0x0  }
0x8a: {  	s3 =	rddreg [dreg:$0x2];
	[bflag:$0x3] =	sbarrier.arrive $0xFFFF;
	s2 =	simm.s32 @!p0 $0x1C01  }
0x8b: {  	[timem:s3], [sflag:s2] =	dma.local @!p0 [hbm:s0], s1  }
0x8c: {  	s0 =	simm.s32 @!p0 $0x1  }
0x8d: {  	_ =	swait.ge @!p0 [sflag:s0], s1  }
0x8e: {  	s1 =	ssub.s32 @!p0 $0x0, s1;
	[sflag:s0] =	ssyncset.done @!p0 $0x0  }
0x8f: {  	[sflag:s0] =	ssyncadd.s32 @!p0 s1  }
0x90: {  	[bflag:$0x3] =	sbarrier.arrive $0xFFFF  }
0x91: {  	_ =	shalt  }

</sc_bundles>
